<compile_context>
chip_gen: v7x
topology: tpu7x:2x2x1
jax: 0.10.2.dev20260603
libtpu: 0.0.44.dev20260713+nightly
codegen_flags: <defaults>
</compile_context>

<pallas_src>
import functools

import jax
import jax.numpy as jnp
from jax import lax
from jax.experimental import pallas as pl
from jax.experimental.pallas import tpu as pltpu
from jax.experimental.pallas import tpu_sc as plsc

_NC = 2
_NS = 16
_NW = _NC * _NS
_L = 16
_C = 1000


def _proj_tc(x, w_src, w_dst):
    n, df = x.shape
    de = w_src.shape[1]
    bn = 2000

    def body(x_ref, ws_ref, wd_ref, ps_ref, pd_ref):
        xb = x_ref[...]
        ps_ref[...] = jnp.dot(xb, ws_ref[...], preferred_element_type=jnp.float32)
        pd_ref[...] = jnp.dot(xb, wd_ref[...], preferred_element_type=jnp.float32)

    return pl.pallas_call(
        body,
        grid=(n // bn,),
        in_specs=[
            pl.BlockSpec((bn, df), lambda i: (i, 0)),
            pl.BlockSpec((df, de), lambda i: (0, 0)),
            pl.BlockSpec((df, de), lambda i: (0, 0)),
        ],
        out_specs=[
            pl.BlockSpec((bn, de), lambda i: (i, 0)),
            pl.BlockSpec((bn, de), lambda i: (i, 0)),
        ],
        out_shape=[
            jax.ShapeDtypeStruct((n, de), jnp.float32),
            jax.ShapeDtypeStruct((n, de), jnp.float32),
        ],
    )(x, w_src, w_dst)


def _edge_bias_tc(edge_attr, w_attr, b_e):
    e, de = edge_attr.shape
    be = 16000

    def body(ea_ref, w_ref, b_ref, out_ref):
        out_ref[...] = (
            jnp.dot(ea_ref[...], w_ref[...], preferred_element_type=jnp.float32)
            + b_ref[...]
        )

    return pl.pallas_call(
        body,
        grid=(e // be,),
        in_specs=[
            pl.BlockSpec((be, de), lambda i: (i, 0)),
            pl.BlockSpec((de, de), lambda i: (0, 0)),
            pl.BlockSpec((1, de), lambda i: (0, 0)),
        ],
        out_specs=pl.BlockSpec((be, de), lambda i: (i, 0)),
        out_shape=jax.ShapeDtypeStruct((e, de), jnp.float32),
    )(edge_attr, w_attr, b_e)


def _node_tc(x, agg0, agg1, w_n1, w_n2, b_n):
    n, df = x.shape
    de = agg0.shape[1]
    bn = 2000

    def body(x_ref, a0_ref, a1_ref, w1_ref, w2_ref, b_ref, out_ref):
        agg = a0_ref[...] + a1_ref[...]
        acc = jnp.dot(x_ref[...], w1_ref[...], preferred_element_type=jnp.float32)
        acc = acc + jnp.dot(agg, w2_ref[...], preferred_element_type=jnp.float32)
        out_ref[...] = jnp.maximum(acc + b_ref[...], 0.0)

    return pl.pallas_call(
        body,
        grid=(n // bn,),
        in_specs=[
            pl.BlockSpec((bn, df), lambda i: (i, 0)),
            pl.BlockSpec((bn, de), lambda i: (i, 0)),
            pl.BlockSpec((bn, de), lambda i: (i, 0)),
            pl.BlockSpec((df, df), lambda i: (0, 0)),
            pl.BlockSpec((de, df), lambda i: (0, 0)),
            pl.BlockSpec((1, df), lambda i: (0, 0)),
        ],
        out_specs=pl.BlockSpec((bn, df), lambda i: (i, 0)),
        out_shape=jax.ShapeDtypeStruct((n, df), jnp.float32),
    )(x, agg0, agg1, w_n1, w_n2, b_n)


def _sc_edge_agg(p_src, p_dst, a_e, row, col):
    n = p_src.shape[0]
    e = row.shape[0]
    epw = e // _NW
    nch = epw // _C
    npad = ((n + 8 * _NS - 1) // (8 * _NS)) * (8 * _NS)
    nps = npad // _NS

    mesh = plsc.VectorSubcoreMesh(core_axis_name="c", subcore_axis_name="s")

    @functools.partial(
        pl.kernel,
        out_type=[
            jax.ShapeDtypeStruct((e, _L), jnp.float32),
            jax.ShapeDtypeStruct((_NC, npad, _L), jnp.float32),
        ],
        mesh=mesh,
        compiler_params=pltpu.CompilerParams(use_tc_tiling_on_sc=False),
        scratch_types=[
            pltpu.VMEM((_C,), jnp.int32),
            pltpu.VMEM((_C,), jnp.int32),
            pltpu.VMEM((_C, _L), jnp.float32),
            pltpu.VMEM((_C, _L), jnp.float32),
            pltpu.VMEM((_C, _L), jnp.float32),
            pltpu.VMEM((_C, _L), jnp.float32),
            pltpu.VMEM((nps, _L), jnp.float32),
            pltpu.VMEM_SHARED((npad, _L), jnp.float32),
            pltpu.SemaphoreType.DMA,
            pltpu.SemaphoreType.DMA,
        ],
    )
    def k(ps_h, pd_h, a_h, row_h, col_h, eo_h, agg_h,
          row_v, col_v, src_v, dst_v, a_v, res_v, zb_v, acc_s, sem0, sem1):
        cid = lax.axis_index("c")
        sid = lax.axis_index("s")
        wid = cid * _NS + sid
        ebase = wid * epw

        def _z(i, carry):
            zb_v[i] = jnp.zeros((_L,), jnp.float32)
            return carry

        lax.fori_loop(0, nps, _z, 0)
        pltpu.sync_copy(zb_v, acc_s.at[pl.ds(sid * nps, nps)])
        plsc.subcore_barrier()

        def _chunk(ci, carry):
            base = pl.multiple_of(ebase + ci * _C, 8)
            pltpu.sync_copy(row_h.at[pl.ds(base, _C)], row_v)
            pltpu.sync_copy(col_h.at[pl.ds(base, _C)], col_v)
            pltpu.sync_copy(a_h.at[pl.ds(base, _C)], a_v)
            pltpu.async_copy(ps_h.at[row_v], src_v, sem0).wait()
            pltpu.async_copy(pd_h.at[col_v], dst_v, sem1).wait()

            def _edge(i, c2):
                res_v[i] = jnp.maximum(src_v[i] + dst_v[i] + a_v[i], 0.0)
                return c2

            lax.fori_loop(0, _C, _edge, 0)
            pltpu.sync_copy(res_v, eo_h.at[pl.ds(base, _C)])
            pltpu.sync_copy(res_v, acc_s.at[col_v], add=True)
            return carry

        lax.fori_loop(0, nch, _chunk, 0)
        plsc.subcore_barrier()
        pltpu.sync_copy(
            acc_s.at[pl.ds(sid * nps, nps)],
            agg_h.at[cid, pl.ds(sid * nps, nps)],
        )

    return k(p_src, p_dst, a_e, row, col)


def kernel(x_n, edge_index_n_n, edge_attr_n_n, W_e, b_e, W_n, b_n):
    x = x_n.astype(jnp.float32)
    df = x.shape[1]
    de = edge_attr_n_n.shape[1]
    row = edge_index_n_n[0].astype(jnp.int32)
    col = edge_index_n_n[1].astype(jnp.int32)

    w_src = W_e[:df]
    w_dst = W_e[df:2 * df]
    w_attr = W_e[2 * df:]

    p_src, p_dst = _proj_tc(x, w_src, w_dst)
    a_e = _edge_bias_tc(edge_attr_n_n.astype(jnp.float32), w_attr,
                        b_e.reshape(1, de))
    n = x.shape[0]
    new_edge_attr, agg_parts = _sc_edge_agg(p_src, p_dst, a_e, row, col)
    new_x = _node_tc(x, agg_parts[0, :n], agg_parts[1, :n],
                     W_n[:df], W_n[df:], b_n.reshape(1, df))
    return (new_x, new_edge_attr)

# --- scband reference (transcript-rebuilt; emitter-appended) ---
"""Pipeline reference for scband-meta-layer-2267742732914 (READ-ONLY COPY).

The authoritative reference and input builder live on the scoring server;
editing this copy changes nothing except your own understanding.
"""

import jax, jax.numpy as jnp
import numpy as np

N = 10000
E = 320000
D_FEAT = 128
D_EDGE = 16


def setup_inputs(seed: int = 0) -> dict:
    key = jax.random.key(seed)
    k1, k2, k3, k4, k5 = jax.random.split(key, 5)
    x_n = jax.random.normal(k1, (N, D_FEAT), dtype=jnp.float32)
    edge_index_n_n = jax.random.randint(k2, (2, E), 0, N, dtype=jnp.int64)
    edge_attr_n_n = jax.random.normal(k3, (E, D_EDGE), dtype=jnp.float32)
    # EdgeModel params: MLP on cat([x_src, x_dst, edge_attr]) -> d_edge
    W_e = jax.random.normal(k4, (2 * D_FEAT + D_EDGE, D_EDGE), dtype=jnp.float32) * 0.05
    b_e = jnp.zeros((D_EDGE,), dtype=jnp.float32)
    # NodeTypeModel params: MLP on cat([x, agg]) -> d_feat
    W_n = jax.random.normal(k5, (D_FEAT + D_EDGE, D_FEAT), dtype=jnp.float32) * 0.05
    b_n = jnp.zeros((D_FEAT,), dtype=jnp.float32)
    return {"x_n": x_n, "edge_index_n_n": edge_index_n_n, "edge_attr_n_n": edge_attr_n_n,
            "W_e": W_e, "b_e": b_e, "W_n": W_n, "b_n": b_n}


def reference(x_n, edge_index_n_n, edge_attr_n_n, W_e, b_e, W_n, b_n):
    # MetaLayer forward with node_types=["n"], one edge type "n-n".
    # --- edge update ---
    row = edge_index_n_n[0]
    col = edge_index_n_n[1]
    x1 = jnp.take(x_n, row, axis=0)   # gather src features [E, D_FEAT]
    x2 = jnp.take(x_n, col, axis=0)   # gather dst features [E, D_FEAT]
    e_in = jnp.concatenate([x1, x2, edge_attr_n_n], axis=-1)
    new_edge_attr = jax.nn.relu(e_in @ W_e + b_e)  # [E, D_EDGE]
    # --- node update: scatter-add messages to dst nodes ---
    agg = jax.ops.segment_sum(new_edge_attr, col, num_segments=N)  # [N, D_EDGE]
    n_in = jnp.concatenate([x_n, agg], axis=-1)
    new_x = jax.nn.relu(n_in @ W_n + b_n)  # [N, D_FEAT]
    return (new_x, new_edge_attr)

if __name__ == "__main__":
    import jax
    _d = setup_inputs()
    print(jax.jit(kernel)(*tuple(_d.values())))

</pallas_src>

<mosaic_0001>
#map = affine_map<(d0, d1) -> (0, 0)>
#map1 = affine_map<(d0, d1) -> (0)>
#map2 = affine_map<(d0, d1) -> (0, 0, 0)>
module attributes {stable_mosaic.version = 14 : i64} {
  func.func @k(%arg0: i32, %arg1: i32, %arg2: memref<10000x16xf32, #tpu.memory_space<hbm>>, %arg3: memref<10000x16xf32, #tpu.memory_space<hbm>>, %arg4: memref<320000x16xf32, #tpu.memory_space<hbm>>, %arg5: memref<320000xi32, #tpu.memory_space<hbm>>, %arg6: memref<320000xi32, #tpu.memory_space<hbm>>, %arg7: memref<320000x16xf32, #tpu.memory_space<hbm>>, %arg8: memref<2x10112x16xf32, #tpu.memory_space<hbm>>, %arg9: memref<1000xi32, #tpu.memory_space<vmem>>, %arg10: memref<1000xi32, #tpu.memory_space<vmem>>, %arg11: memref<1000x16xf32, #tpu.memory_space<vmem>>, %arg12: memref<1000x16xf32, #tpu.memory_space<vmem>>, %arg13: memref<1000x16xf32, #tpu.memory_space<vmem>>, %arg14: memref<1000x16xf32, #tpu.memory_space<vmem>>, %arg15: memref<632x16xf32, #tpu.memory_space<vmem>>, %arg16: memref<10112x16xf32, #tpu.memory_space<vmem_shared>>, %arg17: memref<!tpu.dma_semaphore, #tpu.memory_space<semaphore_mem>>, %arg18: memref<!tpu.dma_semaphore, #tpu.memory_space<semaphore_mem>>) attributes {dimension_semantics = [#tpu.dimension_semantics<core_parallel>, #tpu.dimension_semantics<subcore_parallel>], iteration_bounds = array<i64: 2, 16>, scalar_prefetch = 0 : i64, scratch_operands = 10 : i64, tpu.core_type = #tpu.core_type<sc_vector_subcore>, window_params = [{transform_indices = #map}, {transform_indices = #map}, {transform_indices = #map}, {transform_indices = #map1}, {transform_indices = #map1}, {transform_indices = #map}, {transform_indices = #map2}]} {
    %mul3A = arith.constant 16 : i32
    %mul3A_0 = arith.muli %arg0, %mul3A : i32
    %add3A = arith.addi %mul3A_0, %arg1 : i32
    %mul3A_1 = arith.constant 10000 : i32
    %mul3A_2 = arith.muli %add3A, %mul3A_1 : i32
    %scan3A = arith.constant 0 : i32
    %scan3A_3 = arith.constant 0 : i32
    %scan3A_4 = arith.constant 632 : i32
    %scan3A_5 = arith.addi %scan3A_3, %scan3A_4 : i32
    %scan3A_6 = arith.constant 1 : i32
    scf.for %scan3A_21 = %scan3A_3 to %scan3A_5 step %scan3A_6  : i32 {
      %broadcast_in_dim3A = arith.constant 0.000000e+00 : f32
      %broadcast_in_dim3A_22 = vector.broadcast %broadcast_in_dim3A : f32 to vector<16xf32>
      %swap3A = arith.index_cast %scan3A_21 : i32 to index
      %swap3A_23 = arith.constant 0 : index
      %swap3A_24 = tpu.vector_load %arg15[%swap3A, %swap3A_23] {strides = array<i32>} : memref<632x16xf32, #tpu.memory_space<vmem>>, vector<1x16xf32>,
      %swap3A_25 = vector.shape_cast %swap3A_24 : vector<1x16xf32> to vector<16xf32>
      %swap3A_26 = vector.shape_cast %broadcast_in_dim3A_22 : vector<16xf32> to vector<1x16xf32>
      tpu.vector_store %arg15[%swap3A, %swap3A_23], %swap3A_26 {strides = array<i32>} : memref<632x16xf32, #tpu.memory_space<vmem>>, vector<1x16xf32>,
    }
    %scan3A_7 = arith.constant 632 : i32
    %mul3A_8 = arith.constant 632 : i32
    %mul3A_9 = arith.muli %arg1, %mul3A_8 : i32
    "tpu.region"() ({
      %run_scoped3A = tpu.sem_alloc : memref<!tpu.dma_semaphore, #tpu.memory_space<semaphore_mem>>
      %dma_start3A = arith.constant 0 : i32
      %dma_start3A_21 = tpu.memref_slice %arg16[%mul3A_9, %dma_start3A] : memref<10112x16xf32, #tpu.memory_space<vmem_shared>> -> memref<632x16xf32, #tpu.memory_space<vmem_shared>>
      %dma_start3A_22 = arith.constant 0 : i32
      %dma_start3A_23 = tpu.memref_slice %arg16[%mul3A_9, %dma_start3A_22] : memref<10112x16xf32, #tpu.memory_space<vmem_shared>> -> memref<632x16xf32, #tpu.memory_space<vmem_shared>>
      tpu.enqueue_dma source(%arg15 : memref<632x16xf32, #tpu.memory_space<vmem>>) target(%dma_start3A_23 : memref<632x16xf32, #tpu.memory_space<vmem_shared>>) target_semaphore(%run_scoped3A : memref<!tpu.dma_semaphore, #tpu.memory_space<semaphore_mem>>)
      %dma_wait3A = arith.constant 0 : i32
      %dma_wait3A_24 = tpu.memref_slice %arg16[%mul3A_9, %dma_wait3A] : memref<10112x16xf32, #tpu.memory_space<vmem_shared>> -> memref<632x16xf32, #tpu.memory_space<vmem_shared>>
      %dma_wait3A_25 = arith.constant 0 : i32
      %dma_wait3A_26 = tpu.memref_slice %arg16[%mul3A_9, %dma_wait3A_25] : memref<10112x16xf32, #tpu.memory_space<vmem_shared>> -> memref<632x16xf32, #tpu.memory_space<vmem_shared>>
      tpu.wait_dma2 semaphore(%run_scoped3A : memref<!tpu.dma_semaphore, #tpu.memory_space<semaphore_mem>>) src(%arg15 : memref<632x16xf32, #tpu.memory_space<vmem>>) dst(%dma_wait3A_26 : memref<632x16xf32, #tpu.memory_space<vmem_shared>>)
      tpu.yield
    }) : () -> ()
    %barrier3A = arith.constant 0 : index
    tpu.barrier barrier_id(%barrier3A)
    %scan3A_10 = arith.constant 0 : i32
    %scan3A_11 = arith.constant 0 : i32
    %scan3A_12 = arith.constant 10 : i32
    %scan3A_13 = arith.addi %scan3A_11, %scan3A_12 : i32
    %scan3A_14 = arith.constant 1 : i32
    scf.for %scan3A_21 = %scan3A_11 to %scan3A_13 step %scan3A_14  : i32 {
      %mul3A_22 = arith.constant 1000 : i32
      %mul3A_23 = arith.muli %scan3A_21, %mul3A_22 : i32
      %add3A_24 = arith.addi %mul3A_2, %mul3A_23 : i32
      %multiple_of3A = tpu.assume_multiple %add3A_24, 8 : i32
      "tpu.region"() ({
        %run_scoped3A = tpu.sem_alloc : memref<!tpu.dma_semaphore, #tpu.memory_space<semaphore_mem>>
        %dma_start3A_41 = tpu.memref_slice %arg5[%multiple_of3A] : memref<320000xi32, #tpu.memory_space<hbm>> -> memref<1000xi32, #tpu.memory_space<hbm>>
        %dma_start3A_42 = tpu.memref_slice %arg5[%multiple_of3A] : memref<320000xi32, #tpu.memory_space<hbm>> -> memref<1000xi32, #tpu.memory_space<hbm>>
        tpu.enqueue_dma source(%dma_start3A_42 : memref<1000xi32, #tpu.memory_space<hbm>>) target(%arg9 : memref<1000xi32, #tpu.memory_space<vmem>>) target_semaphore(%run_scoped3A : memref<!tpu.dma_semaphore, #tpu.memory_space<semaphore_mem>>)
        %dma_wait3A_43 = tpu.memref_slice %arg5[%multiple_of3A] : memref<320000xi32, #tpu.memory_space<hbm>> -> memref<1000xi32, #tpu.memory_space<hbm>>
        %dma_wait3A_44 = tpu.memref_slice %arg5[%multiple_of3A] : memref<320000xi32, #tpu.memory_space<hbm>> -> memref<1000xi32, #tpu.memory_space<hbm>>
        tpu.wait_dma2 semaphore(%run_scoped3A : memref<!tpu.dma_semaphore, #tpu.memory_space<semaphore_mem>>) src(%dma_wait3A_44 : memref<1000xi32, #tpu.memory_space<hbm>>) dst(%arg9 : memref<1000xi32, #tpu.memory_space<vmem>>)
        tpu.yield
      }) : () -> ()
      "tpu.region"() ({
        %run_scoped3A = tpu.sem_alloc : memref<!tpu.dma_semaphore, #tpu.memory_space<semaphore_mem>>
        %dma_start3A_41 = tpu.memref_slice %arg6[%multiple_of3A] : memref<320000xi32, #tpu.memory_space<hbm>> -> memref<1000xi32, #tpu.memory_space<hbm>>
        %dma_start3A_42 = tpu.memref_slice %arg6[%multiple_of3A] : memref<320000xi32, #tpu.memory_space<hbm>> -> memref<1000xi32, #tpu.memory_space<hbm>>
        tpu.enqueue_dma source(%dma_start3A_42 : memref<1000xi32, #tpu.memory_space<hbm>>) target(%arg10 : memref<1000xi32, #tpu.memory_space<vmem>>) target_semaphore(%run_scoped3A : memref<!tpu.dma_semaphore, #tpu.memory_space<semaphore_mem>>)
        %dma_wait3A_43 = tpu.memref_slice %arg6[%multiple_of3A] : memref<320000xi32, #tpu.memory_space<hbm>> -> memref<1000xi32, #tpu.memory_space<hbm>>
        %dma_wait3A_44 = tpu.memref_slice %arg6[%multiple_of3A] : memref<320000xi32, #tpu.memory_space<hbm>> -> memref<1000xi32, #tpu.memory_space<hbm>>
        tpu.wait_dma2 semaphore(%run_scoped3A : memref<!tpu.dma_semaphore, #tpu.memory_space<semaphore_mem>>) src(%dma_wait3A_44 : memref<1000xi32, #tpu.memory_space<hbm>>) dst(%arg10 : memref<1000xi32, #tpu.memory_space<vmem>>)
        tpu.yield
      }) : () -> ()
      "tpu.region"() ({
        %run_scoped3A = tpu.sem_alloc : memref<!tpu.dma_semaphore, #tpu.memory_space<semaphore_mem>>
        %dma_start3A_41 = arith.constant 0 : i32
        %dma_start3A_42 = tpu.memref_slice %arg4[%multiple_of3A, %dma_start3A_41] : memref<320000x16xf32, #tpu.memory_space<hbm>> -> memref<1000x16xf32, #tpu.memory_space<hbm>>
        %dma_start3A_43 = arith.constant 0 : i32
        %dma_start3A_44 = tpu.memref_slice %arg4[%multiple_of3A, %dma_start3A_43] : memref<320000x16xf32, #tpu.memory_space<hbm>> -> memref<1000x16xf32, #tpu.memory_space<hbm>>
        tpu.enqueue_dma source(%dma_start3A_44 : memref<1000x16xf32, #tpu.memory_space<hbm>>) target(%arg13 : memref<1000x16xf32, #tpu.memory_space<vmem>>) target_semaphore(%run_scoped3A : memref<!tpu.dma_semaphore, #tpu.memory_space<semaphore_mem>>)
        %dma_wait3A_45 = arith.constant 0 : i32
        %dma_wait3A_46 = tpu.memref_slice %arg4[%multiple_of3A, %dma_wait3A_45] : memref<320000x16xf32, #tpu.memory_space<hbm>> -> memref<1000x16xf32, #tpu.memory_space<hbm>>
        %dma_wait3A_47 = arith.constant 0 : i32
        %dma_wait3A_48 = tpu.memref_slice %arg4[%multiple_of3A, %dma_wait3A_47] : memref<320000x16xf32, #tpu.memory_space<hbm>> -> memref<1000x16xf32, #tpu.memory_space<hbm>>
        tpu.wait_dma2 semaphore(%run_scoped3A : memref<!tpu.dma_semaphore, #tpu.memory_space<semaphore_mem>>) src(%dma_wait3A_48 : memref<1000x16xf32, #tpu.memory_space<hbm>>) dst(%arg13 : memref<1000x16xf32, #tpu.memory_space<vmem>>)
        tpu.yield
      }) : () -> ()
      %dma_start3A = arith.constant 0 : i32
      %dma_start3A_25 = arith.constant 0 : i32
      %dma_start3A_26 = tpu.memref_slice %arg2[%dma_start3A, %dma_start3A_25] : memref<10000x16xf32, #tpu.memory_space<hbm>> -> memref<10000x16xf32, #tpu.memory_space<hbm>>
      tpu.enqueue_indirect_dma source(%dma_start3A_26 : memref<10000x16xf32, #tpu.memory_space<hbm>>) target(%arg11 : memref<1000x16xf32, #tpu.memory_space<vmem>>) offsets(%arg9 : memref<1000xi32, #tpu.memory_space<vmem>>) semaphore(%arg17 : memref<!tpu.dma_semaphore, #tpu.memory_space<semaphore_mem>>)
      %dma_wait3A = arith.constant 0 : i32
      %dma_wait3A_27 = arith.constant 0 : i32
      %dma_wait3A_28 = tpu.memref_slice %arg2[%dma_wait3A, %dma_wait3A_27] : memref<10000x16xf32, #tpu.memory_space<hbm>> -> memref<10000x16xf32, #tpu.memory_space<hbm>>
      tpu.wait_indirect_dma semaphore(%arg17 : memref<!tpu.dma_semaphore, #tpu.memory_space<semaphore_mem>>) src(%dma_wait3A_28 : memref<10000x16xf32, #tpu.memory_space<hbm>>) dst(%arg11 : memref<1000x16xf32, #tpu.memory_space<vmem>>)
      %dma_start3A_29 = arith.constant 0 : i32
      %dma_start3A_30 = arith.constant 0 : i32
      %dma_start3A_31 = tpu.memref_slice %arg3[%dma_start3A_29, %dma_start3A_30] : memref<10000x16xf32, #tpu.memory_space<hbm>> -> memref<10000x16xf32, #tpu.memory_space<hbm>>
      tpu.enqueue_indirect_dma source(%dma_start3A_31 : memref<10000x16xf32, #tpu.memory_space<hbm>>) target(%arg12 : memref<1000x16xf32, #tpu.memory_space<vmem>>) offsets(%arg10 : memref<1000xi32, #tpu.memory_space<vmem>>) semaphore(%arg18 : memref<!tpu.dma_semaphore, #tpu.memory_space<semaphore_mem>>)
      %dma_wait3A_32 = arith.constant 0 : i32
      %dma_wait3A_33 = arith.constant 0 : i32
      %dma_wait3A_34 = tpu.memref_slice %arg3[%dma_wait3A_32, %dma_wait3A_33] : memref<10000x16xf32, #tpu.memory_space<hbm>> -> memref<10000x16xf32, #tpu.memory_space<hbm>>
      tpu.wait_indirect_dma semaphore(%arg18 : memref<!tpu.dma_semaphore, #tpu.memory_space<semaphore_mem>>) src(%dma_wait3A_34 : memref<10000x16xf32, #tpu.memory_space<hbm>>) dst(%arg12 : memref<1000x16xf32, #tpu.memory_space<vmem>>)
      %scan3A_35 = arith.constant 0 : i32
      %scan3A_36 = arith.constant 0 : i32
      %scan3A_37 = arith.constant 1000 : i32
      %scan3A_38 = arith.addi %scan3A_36, %scan3A_37 : i32
      %scan3A_39 = arith.constant 1 : i32
      scf.for %scan3A_41 = %scan3A_36 to %scan3A_38 step %scan3A_39  : i32 {
        %get3A = arith.index_cast %scan3A_41 : i32 to index
        %get3A_42 = arith.constant 0 : index
        %get3A_43 = tpu.vector_load %arg11[%get3A, %get3A_42] {strides = array<i32>} : memref<1000x16xf32, #tpu.memory_space<vmem>>, vector<1x16xf32>,
        %get3A_44 = vector.shape_cast %get3A_43 : vector<1x16xf32> to vector<16xf32>
        %get3A_45 = arith.index_cast %scan3A_41 : i32 to index
        %get3A_46 = arith.constant 0 : index
        %get3A_47 = tpu.vector_load %arg12[%get3A_45, %get3A_46] {strides = array<i32>} : memref<1000x16xf32, #tpu.memory_space<vmem>>, vector<1x16xf32>,
        %get3A_48 = vector.shape_cast %get3A_47 : vector<1x16xf32> to vector<16xf32>
        %add3A_49 = arith.addf %get3A_44, %get3A_48 : vector<16xf32>
        %get3A_50 = arith.index_cast %scan3A_41 : i32 to index
        %get3A_51 = arith.constant 0 : index
        %get3A_52 = tpu.vector_load %arg13[%get3A_50, %get3A_51] {strides = array<i32>} : memref<1000x16xf32, #tpu.memory_space<vmem>>, vector<1x16xf32>,
        %get3A_53 = vector.shape_cast %get3A_52 : vector<1x16xf32> to vector<16xf32>
        %add3A_54 = arith.addf %add3A_49, %get3A_53 : vector<16xf32>
        %max3A = arith.constant 0.000000e+00 : f32
        %max3A_55 = vector.broadcast %max3A : f32 to vector<16xf32>
        %max3A_56 = arith.maximumf %add3A_54, %max3A_55 : vector<16xf32>
        %swap3A = arith.index_cast %scan3A_41 : i32 to index
        %swap3A_57 = arith.constant 0 : index
        %swap3A_58 = tpu.vector_load %arg14[%swap3A, %swap3A_57] {strides = array<i32>} : memref<1000x16xf32, #tpu.memory_space<vmem>>, vector<1x16xf32>,
        %swap3A_59 = vector.shape_cast %swap3A_58 : vector<1x16xf32> to vector<16xf32>
        %swap3A_60 = vector.shape_cast %max3A_56 : vector<16xf32> to vector<1x16xf32>
        tpu.vector_store %arg14[%swap3A, %swap3A_57], %swap3A_60 {strides = array<i32>} : memref<1000x16xf32, #tpu.memory_space<vmem>>, vector<1x16xf32>,
      }
      %scan3A_40 = arith.constant 1000 : i32
      "tpu.region"() ({
        %run_scoped3A = tpu.sem_alloc : memref<!tpu.dma_semaphore, #tpu.memory_space<semaphore_mem>>
        %dma_start3A_41 = arith.constant 0 : i32
        %dma_start3A_42 = tpu.memref_slice %arg7[%multiple_of3A, %dma_start3A_41] : memref<320000x16xf32, #tpu.memory_space<hbm>> -> memref<1000x16xf32, #tpu.memory_space<hbm>>
        %dma_start3A_43 = arith.constant 0 : i32
        %dma_start3A_44 = tpu.memref_slice %arg7[%multiple_of3A, %dma_start3A_43] : memref<320000x16xf32, #tpu.memory_space<hbm>> -> memref<1000x16xf32, #tpu.memory_space<hbm>>
        tpu.enqueue_dma source(%arg14 : memref<1000x16xf32, #tpu.memory_space<vmem>>) target(%dma_start3A_44 : memref<1000x16xf32, #tpu.memory_space<hbm>>) target_semaphore(%run_scoped3A : memref<!tpu.dma_semaphore, #tpu.memory_space<semaphore_mem>>)
        %dma_wait3A_45 = arith.constant 0 : i32
        %dma_wait3A_46 = tpu.memref_slice %arg7[%multiple_of3A, %dma_wait3A_45] : memref<320000x16xf32, #tpu.memory_space<hbm>> -> memref<1000x16xf32, #tpu.memory_space<hbm>>
        %dma_wait3A_47 = arith.constant 0 : i32
        %dma_wait3A_48 = tpu.memref_slice %arg7[%multiple_of3A, %dma_wait3A_47] : memref<320000x16xf32, #tpu.memory_space<hbm>> -> memref<1000x16xf32, #tpu.memory_space<hbm>>
        tpu.wait_dma2 semaphore(%run_scoped3A : memref<!tpu.dma_semaphore, #tpu.memory_space<semaphore_mem>>) src(%arg14 : memref<1000x16xf32, #tpu.memory_space<vmem>>) dst(%dma_wait3A_48 : memref<1000x16xf32, #tpu.memory_space<hbm>>)
        tpu.yield
      }) : () -> ()
      "tpu.region"() ({
        %run_scoped3A = tpu.sem_alloc : memref<!tpu.dma_semaphore, #tpu.memory_space<semaphore_mem>>
        %dma_start3A_41 = arith.constant 0 : i32
        %dma_start3A_42 = arith.constant 0 : i32
        %dma_start3A_43 = tpu.memref_slice %arg16[%dma_start3A_41, %dma_start3A_42] : memref<10112x16xf32, #tpu.memory_space<vmem_shared>> -> memref<10112x16xf32, #tpu.memory_space<vmem_shared>>
        tpu.enqueue_indirect_dma source(%arg14 : memref<1000x16xf32, #tpu.memory_space<vmem>>) target(%dma_start3A_43 : memref<10112x16xf32, #tpu.memory_space<vmem_shared>>) offsets(%arg10 : memref<1000xi32, #tpu.memory_space<vmem>>) semaphore(%run_scoped3A : memref<!tpu.dma_semaphore, #tpu.memory_space<semaphore_mem>>) {add = true}
        %dma_wait3A_44 = arith.constant 0 : i32
        %dma_wait3A_45 = arith.constant 0 : i32
        %dma_wait3A_46 = tpu.memref_slice %arg16[%dma_wait3A_44, %dma_wait3A_45] : memref<10112x16xf32, #tpu.memory_space<vmem_shared>> -> memref<10112x16xf32, #tpu.memory_space<vmem_shared>>
        tpu.wait_indirect_dma semaphore(%run_scoped3A : memref<!tpu.dma_semaphore, #tpu.memory_space<semaphore_mem>>) src(%arg14 : memref<1000x16xf32, #tpu.memory_space<vmem>>) dst(%dma_wait3A_46 : memref<10112x16xf32, #tpu.memory_space<vmem_shared>>)
        tpu.yield
      }) : () -> ()
    }
    %scan3A_15 = arith.constant 10 : i32
    %barrier3A_16 = arith.constant 0 : index
    tpu.barrier barrier_id(%barrier3A_16)
    %mul3A_17 = arith.constant 632 : i32
    %mul3A_18 = arith.muli %arg1, %mul3A_17 : i32
    %mul3A_19 = arith.constant 632 : i32
    %mul3A_20 = arith.muli %arg1, %mul3A_19 : i32
    "tpu.region"() ({
      %run_scoped3A = tpu.sem_alloc : memref<!tpu.dma_semaphore, #tpu.memory_space<semaphore_mem>>
      %dma_start3A = arith.constant 0 : i32
      %dma_start3A_21 = tpu.memref_slice %arg8[%arg0, %mul3A_20, %dma_start3A] : memref<2x10112x16xf32, #tpu.memory_space<hbm>> -> memref<1x632x16xf32, #tpu.memory_space<hbm>>
      %dma_start3A_22 = tpu.memref_squeeze %dma_start3A_21 : memref<1x632x16xf32, #tpu.memory_space<hbm>> -> memref<632x16xf32, #tpu.memory_space<hbm>>
      %dma_start3A_23 = arith.constant 0 : i32
      %dma_start3A_24 = tpu.memref_slice %arg16[%mul3A_18, %dma_start3A_23] : memref<10112x16xf32, #tpu.memory_space<vmem_shared>> -> memref<632x16xf32, #tpu.memory_space<vmem_shared>>
      tpu.enqueue_dma source(%dma_start3A_24 : memref<632x16xf32, #tpu.memory_space<vmem_shared>>) target(%dma_start3A_22 : memref<632x16xf32, #tpu.memory_space<hbm>>) target_semaphore(%run_scoped3A : memref<!tpu.dma_semaphore, #tpu.memory_space<semaphore_mem>>)
      %dma_wait3A = arith.constant 0 : i32
      %dma_wait3A_25 = tpu.memref_slice %arg8[%arg0, %mul3A_20, %dma_wait3A] : memref<2x10112x16xf32, #tpu.memory_space<hbm>> -> memref<1x632x16xf32, #tpu.memory_space<hbm>>
      %dma_wait3A_26 = tpu.memref_squeeze %dma_wait3A_25 : memref<1x632x16xf32, #tpu.memory_space<hbm>> -> memref<632x16xf32, #tpu.memory_space<hbm>>
      %dma_wait3A_27 = arith.constant 0 : i32
      %dma_wait3A_28 = tpu.memref_slice %arg16[%mul3A_18, %dma_wait3A_27] : memref<10112x16xf32, #tpu.memory_space<vmem_shared>> -> memref<632x16xf32, #tpu.memory_space<vmem_shared>>
      tpu.wait_dma2 semaphore(%run_scoped3A : memref<!tpu.dma_semaphore, #tpu.memory_space<semaphore_mem>>) src(%dma_wait3A_28 : memref<632x16xf32, #tpu.memory_space<vmem_shared>>) dst(%dma_wait3A_26 : memref<632x16xf32, #tpu.memory_space<hbm>>)
      tpu.yield
    }) : () -> ()
    return
  }
}

module attributes {stable_mosaic.version = 14 : i64} {
  func.func @body(%arg0: i32, %arg1: memref<2000x128xf32, #tpu.memory_space<vmem>>, %arg2: memref<128x16xf32, #tpu.memory_space<vmem>>, %arg3: memref<128x16xf32, #tpu.memory_space<vmem>>, %arg4: memref<2000x16xf32, #tpu.memory_space<vmem>>, %arg5: memref<2000x16xf32, #tpu.memory_space<vmem>>) attributes {dimension_semantics = [#tpu.dimension_semantics<arbitrary>], iteration_bounds = array<i64: 5>, scalar_prefetch = 0 : i64, scratch_operands = 0 : i64, tpu.core_type = #tpu.core_type<tc>, window_params = [{transform_indices = @transform_0, window_bounds = array<i64: 2000, 128>}, {pipeline_mode = #tpu.pipeline_mode<synchronous>, transform_indices = @transform_1, window_bounds = array<i64: 128, 16>}, {pipeline_mode = #tpu.pipeline_mode<synchronous>, transform_indices = @transform_2, window_bounds = array<i64: 128, 16>}, {transform_indices = @transform_3, window_bounds = array<i64: 2000, 16>}, {transform_indices = @transform_4, window_bounds = array<i64: 2000, 16>}]} {
    %get3A = arith.constant 0 : index
    %get3A_0 = arith.constant 0 : index
    %get3A_1 = vector.load %arg1[%get3A, %get3A_0] : memref<2000x128xf32, #tpu.memory_space<vmem>>, vector<2000x128xf32>
    %get3A_2 = arith.constant 0 : index
    %get3A_3 = arith.constant 0 : index
    %get3A_4 = vector.load %arg2[%get3A_2, %get3A_3] : memref<128x16xf32, #tpu.memory_space<vmem>>, vector<128x16xf32>
    %dot_general3A = arith.constant dense<0.000000e+00> : vector<2000x16xf32>
    %dot_general3A_5 = tpu.matmul %get3A_1, %get3A_4, %dot_general3A {dimension_numbers = #tpu.dot_dimension_numbers<[1], [0], [0], [1], [0, 0, 1, 1], [], []>, transpose_lhs_hint = false} : vector<2000x128xf32>, vector<128x16xf32>, vector<2000x16xf32> -> vector<2000x16xf32>
    %swap3A = arith.constant 0 : index
    %swap3A_6 = arith.constant 0 : index
    %swap3A_7 = vector.load %arg4[%swap3A, %swap3A_6] : memref<2000x16xf32, #tpu.memory_space<vmem>>, vector<2000x16xf32>
    tpu.vector_store %arg4[%swap3A, %swap3A_6], %dot_general3A_5 {strides = array<i32>} : memref<2000x16xf32, #tpu.memory_space<vmem>>, vector<2000x16xf32>,
    %get3A_8 = arith.constant 0 : index
    %get3A_9 = arith.constant 0 : index
    %get3A_10 = vector.load %arg3[%get3A_8, %get3A_9] : memref<128x16xf32, #tpu.memory_space<vmem>>, vector<128x16xf32>
    %dot_general3A_11 = arith.constant dense<0.000000e+00> : vector<2000x16xf32>
    %dot_general3A_12 = tpu.matmul %get3A_1, %get3A_10, %dot_general3A_11 {dimension_numbers = #tpu.dot_dimension_numbers<[1], [0], [0], [1], [0, 0, 1, 1], [], []>, transpose_lhs_hint = false} : vector<2000x128xf32>, vector<128x16xf32>, vector<2000x16xf32> -> vector<2000x16xf32>
    %swap3A_13 = arith.constant 0 : index
    %swap3A_14 = arith.constant 0 : index
    %swap3A_15 = vector.load %arg5[%swap3A_13, %swap3A_14] : memref<2000x16xf32, #tpu.memory_space<vmem>>, vector<2000x16xf32>
    tpu.vector_store %arg5[%swap3A_13, %swap3A_14], %dot_general3A_12 {strides = array<i32>} : memref<2000x16xf32, #tpu.memory_space<vmem>>, vector<2000x16xf32>,
    return
  }
  func.func @transform_0(%arg0: i32) -> (i32, i32) {
    %c0_i32 = arith.constant 0 : i32
    %c0_i32_0 = arith.constant 0 : i32
    return %arg0, %c0_i32 : i32, i32
  }
  func.func @transform_1(%arg0: i32) -> (i32, i32) {
    %c0_i32 = arith.constant 0 : i32
    %c0_i32_0 = arith.constant 0 : i32
    %c0_i32_1 = arith.constant 0 : i32
    return %c0_i32, %c0_i32_0 : i32, i32
  }
  func.func @transform_2(%arg0: i32) -> (i32, i32) {
    %c0_i32 = arith.constant 0 : i32
    %c0_i32_0 = arith.constant 0 : i32
    %c0_i32_1 = arith.constant 0 : i32
    return %c0_i32, %c0_i32_0 : i32, i32
  }
  func.func @transform_3(%arg0: i32) -> (i32, i32) {
    %c0_i32 = arith.constant 0 : i32
    %c0_i32_0 = arith.constant 0 : i32
    return %arg0, %c0_i32 : i32, i32
  }
  func.func @transform_4(%arg0: i32) -> (i32, i32) {
    %c0_i32 = arith.constant 0 : i32
    %c0_i32_0 = arith.constant 0 : i32
    return %arg0, %c0_i32 : i32, i32
  }
}

module attributes {stable_mosaic.version = 14 : i64} {
  func.func @body(%arg0: i32, %arg1: memref<16000x16xf32, #tpu.memory_space<vmem>>, %arg2: memref<16x16xf32, #tpu.memory_space<vmem>>, %arg3: memref<1x16xf32, #tpu.memory_space<vmem>>, %arg4: memref<16000x16xf32, #tpu.memory_space<vmem>>) attributes {dimension_semantics = [#tpu.dimension_semantics<arbitrary>], iteration_bounds = array<i64: 20>, scalar_prefetch = 0 : i64, scratch_operands = 0 : i64, tpu.core_type = #tpu.core_type<tc>, window_params = [{transform_indices = @transform_0, window_bounds = array<i64: 16000, 16>}, {pipeline_mode = #tpu.pipeline_mode<synchronous>, transform_indices = @transform_1, window_bounds = array<i64: 16, 16>}, {pipeline_mode = #tpu.pipeline_mode<synchronous>, transform_indices = @transform_2, window_bounds = array<i64: 1, 16>}, {transform_indices = @transform_3, window_bounds = array<i64: 16000, 16>}]} {
    %get3A = arith.constant 0 : index
    %get3A_0 = arith.constant 0 : index
    %get3A_1 = vector.load %arg1[%get3A, %get3A_0] : memref<16000x16xf32, #tpu.memory_space<vmem>>, vector<16000x16xf32>
    %get3A_2 = arith.constant 0 : index
    %get3A_3 = arith.constant 0 : index
    %get3A_4 = vector.load %arg2[%get3A_2, %get3A_3] : memref<16x16xf32, #tpu.memory_space<vmem>>, vector<16x16xf32>
    %dot_general3A = arith.constant dense<0.000000e+00> : vector<16000x16xf32>
    %dot_general3A_5 = tpu.matmul %get3A_1, %get3A_4, %dot_general3A {dimension_numbers = #tpu.dot_dimension_numbers<[1], [0], [0], [1], [0, 0, 1, 1], [], []>, transpose_lhs_hint = false} : vector<16000x16xf32>, vector<16x16xf32>, vector<16000x16xf32> -> vector<16000x16xf32>
    %get3A_6 = arith.constant 0 : index
    %get3A_7 = arith.constant 0 : index
    %get3A_8 = vector.load %arg3[%get3A_6, %get3A_7] : memref<1x16xf32, #tpu.memory_space<vmem>>, vector<1x16xf32>
    %add3A = vector.broadcast %get3A_8 : vector<1x16xf32> to vector<16000x16xf32>
    %add3A_9 = arith.addf %dot_general3A_5, %add3A : vector<16000x16xf32>
    %swap3A = arith.constant 0 : index
    %swap3A_10 = arith.constant 0 : index
    %swap3A_11 = vector.load %arg4[%swap3A, %swap3A_10] : memref<16000x16xf32, #tpu.memory_space<vmem>>, vector<16000x16xf32>
    tpu.vector_store %arg4[%swap3A, %swap3A_10], %add3A_9 {strides = array<i32>} : memref<16000x16xf32, #tpu.memory_space<vmem>>, vector<16000x16xf32>,
    return
  }
  func.func @transform_0(%arg0: i32) -> (i32, i32) {
    %c0_i32 = arith.constant 0 : i32
    %c0_i32_0 = arith.constant 0 : i32
    return %arg0, %c0_i32 : i32, i32
  }
  func.func @transform_1(%arg0: i32) -> (i32, i32) {
    %c0_i32 = arith.constant 0 : i32
    %c0_i32_0 = arith.constant 0 : i32
    %c0_i32_1 = arith.constant 0 : i32
    return %c0_i32, %c0_i32_0 : i32, i32
  }
  func.func @transform_2(%arg0: i32) -> (i32, i32) {
    %c0_i32 = arith.constant 0 : i32
    %c0_i32_0 = arith.constant 0 : i32
    %c0_i32_1 = arith.constant 0 : i32
    return %c0_i32, %c0_i32_0 : i32, i32
  }
  func.func @transform_3(%arg0: i32) -> (i32, i32) {
    %c0_i32 = arith.constant 0 : i32
    %c0_i32_0 = arith.constant 0 : i32
    return %arg0, %c0_i32 : i32, i32
  }
}

module attributes {stable_mosaic.version = 14 : i64} {
  func.func @body(%arg0: i32, %arg1: memref<2000x128xf32, #tpu.memory_space<vmem>>, %arg2: memref<2000x16xf32, #tpu.memory_space<vmem>>, %arg3: memref<2000x16xf32, #tpu.memory_space<vmem>>, %arg4: memref<128x128xf32, #tpu.memory_space<vmem>>, %arg5: memref<16x128xf32, #tpu.memory_space<vmem>>, %arg6: memref<1x128xf32, #tpu.memory_space<vmem>>, %arg7: memref<2000x128xf32, #tpu.memory_space<vmem>>) attributes {dimension_semantics = [#tpu.dimension_semantics<arbitrary>], iteration_bounds = array<i64: 5>, scalar_prefetch = 0 : i64, scratch_operands = 0 : i64, tpu.core_type = #tpu.core_type<tc>, window_params = [{transform_indices = @transform_0, window_bounds = array<i64: 2000, 128>}, {transform_indices = @transform_1, window_bounds = array<i64: 2000, 16>}, {transform_indices = @transform_2, window_bounds = array<i64: 2000, 16>}, {pipeline_mode = #tpu.pipeline_mode<synchronous>, transform_indices = @transform_3, window_bounds = array<i64: 128, 128>}, {pipeline_mode = #tpu.pipeline_mode<synchronous>, transform_indices = @transform_4, window_bounds = array<i64: 16, 128>}, {pipeline_mode = #tpu.pipeline_mode<synchronous>, transform_indices = @transform_5, window_bounds = array<i64: 1, 128>}, {transform_indices = @transform_6, window_bounds = array<i64: 2000, 128>}]} {
    %get3A = arith.constant 0 : index
    %get3A_0 = arith.constant 0 : index
    %get3A_1 = vector.load %arg2[%get3A, %get3A_0] : memref<2000x16xf32, #tpu.memory_space<vmem>>, vector<2000x16xf32>
    %get3A_2 = arith.constant 0 : index
    %get3A_3 = arith.constant 0 : index
    %get3A_4 = vector.load %arg3[%get3A_2, %get3A_3] : memref<2000x16xf32, #tpu.memory_space<vmem>>, vector<2000x16xf32>
    %add3A = arith.addf %get3A_1, %get3A_4 : vector<2000x16xf32>
    %get3A_5 = arith.constant 0 : index
    %get3A_6 = arith.constant 0 : index
    %get3A_7 = vector.load %arg1[%get3A_5, %get3A_6] : memref<2000x128xf32, #tpu.memory_space<vmem>>, vector<2000x128xf32>
    %get3A_8 = arith.constant 0 : index
    %get3A_9 = arith.constant 0 : index
    %get3A_10 = vector.load %arg4[%get3A_8, %get3A_9] : memref<128x128xf32, #tpu.memory_space<vmem>>, vector<128x128xf32>
    %dot_general3A = arith.constant dense<0.000000e+00> : vector<2000x128xf32>
    %dot_general3A_11 = tpu.matmul %get3A_7, %get3A_10, %dot_general3A {dimension_numbers = #tpu.dot_dimension_numbers<[1], [0], [0], [1], [0, 0, 1, 1], [], []>, transpose_lhs_hint = false} : vector<2000x128xf32>, vector<128x128xf32>, vector<2000x128xf32> -> vector<2000x128xf32>
    %get3A_12 = arith.constant 0 : index
    %get3A_13 = arith.constant 0 : index
    %get3A_14 = vector.load %arg5[%get3A_12, %get3A_13] : memref<16x128xf32, #tpu.memory_space<vmem>>, vector<16x128xf32>
    %dot_general3A_15 = arith.constant dense<0.000000e+00> : vector<2000x128xf32>
    %dot_general3A_16 = tpu.matmul %add3A, %get3A_14, %dot_general3A_15 {dimension_numbers = #tpu.dot_dimension_numbers<[1], [0], [0], [1], [0, 0, 1, 1], [], []>, transpose_lhs_hint = false} : vector<2000x16xf32>, vector<16x128xf32>, vector<2000x128xf32> -> vector<2000x128xf32>
    %add3A_17 = arith.addf %dot_general3A_11, %dot_general3A_16 : vector<2000x128xf32>
    %get3A_18 = arith.constant 0 : index
    %get3A_19 = arith.constant 0 : index
    %get3A_20 = vector.load %arg6[%get3A_18, %get3A_19] : memref<1x128xf32, #tpu.memory_space<vmem>>, vector<1x128xf32>
    %add3A_21 = vector.broadcast %get3A_20 : vector<1x128xf32> to vector<2000x128xf32>
    %add3A_22 = arith.addf %add3A_17, %add3A_21 : vector<2000x128xf32>
    %max3A = arith.constant 0.000000e+00 : f32
    %max3A_23 = vector.broadcast %max3A : f32 to vector<2000x128xf32>
    %max3A_24 = arith.maximumf %add3A_22, %max3A_23 : vector<2000x128xf32>
    %swap3A = arith.constant 0 : index
    %swap3A_25 = arith.constant 0 : index
    %swap3A_26 = vector.load %arg7[%swap3A, %swap3A_25] : memref<2000x128xf32, #tpu.memory_space<vmem>>, vector<2000x128xf32>
    tpu.vector_store %arg7[%swap3A, %swap3A_25], %max3A_24 {strides = array<i32>} : memref<2000x128xf32, #tpu.memory_space<vmem>>, vector<2000x128xf32>,
    return
  }
  func.func @transform_0(%arg0: i32) -> (i32, i32) {
    %c0_i32 = arith.constant 0 : i32
    %c0_i32_0 = arith.constant 0 : i32
    return %arg0, %c0_i32 : i32, i32
  }
  func.func @transform_1(%arg0: i32) -> (i32, i32) {
    %c0_i32 = arith.constant 0 : i32
    %c0_i32_0 = arith.constant 0 : i32
    return %arg0, %c0_i32 : i32, i32
  }
  func.func @transform_2(%arg0: i32) -> (i32, i32) {
    %c0_i32 = arith.constant 0 : i32
    %c0_i32_0 = arith.constant 0 : i32
    return %arg0, %c0_i32 : i32, i32
  }
  func.func @transform_3(%arg0: i32) -> (i32, i32) {
    %c0_i32 = arith.constant 0 : i32
    %c0_i32_0 = arith.constant 0 : i32
    %c0_i32_1 = arith.constant 0 : i32
    return %c0_i32, %c0_i32_0 : i32, i32
  }
  func.func @transform_4(%arg0: i32) -> (i32, i32) {
    %c0_i32 = arith.constant 0 : i32
    %c0_i32_0 = arith.constant 0 : i32
    %c0_i32_1 = arith.constant 0 : i32
    return %c0_i32, %c0_i32_0 : i32, i32
  }
  func.func @transform_5(%arg0: i32) -> (i32, i32) {
    %c0_i32 = arith.constant 0 : i32
    %c0_i32_0 = arith.constant 0 : i32
    %c0_i32_1 = arith.constant 0 : i32
    return %c0_i32, %c0_i32_0 : i32, i32
  }
  func.func @transform_6(%arg0: i32) -> (i32, i32) {
    %c0_i32 = arith.constant 0 : i32
    %c0_i32_0 = arith.constant 0 : i32
    return %arg0, %c0_i32 : i32, i32
  }
}

</mosaic_0001>

<sc_bundles>
// kernel: kernel.6.cloned.1.call-start
scs
__scs_entry_jumppad:
0x0: {  	(pc) =	sbr.rel $0x88, $3  }
0x1: {  	(tag) =	ssettag $0x0;
	lr =	simm.s32 $0x1  }
0x2: {  	[smem:$0x3F9A] =	sst lr;
	_ =	strace $0xD0000000  }
0x3: {  	_ = 	snop  }
0x4: {  	_ = 	snop  }
0x5: {  	_ = 	snop  }
0x6: {  	_ = 	snop  }
0x7: {  	_ = 	snop  }
__scs_overlays_trampoline_lowered:
0x8: {  	[smem:$0x3FA9] =	sst s0  }
0x9: {  	[smem:$0x3FAA] =	sst s1  }
0xa: {  	[smem:$0x3FAB] =	sst s2  }
0xb: {  	[smem:$0x3FAC] =	sst s3  }
0xc: {  	[smem:$0x3FAD] =	sst s4  }
0xd: {  	[smem:$0x3FAE] =	sst s5  }
0xe: {  	[smem:$0x3FAF] =	sst s6  }
0xf: {  	[smem:$0x3FB0] =	sst s7  }
0x10: {  	[smem:$0x3FB1] =	sst s8  }
0x11: {  	[smem:$0x3FB2] =	sst s9;
	s0 =	simm.s32 @!p0 $0x0  }
0x12: {  	s1 =	sld [smem:$0x3F98];
	s0 =	simm.s32 @p0 $0x1  }
0x13: {  	[smem:$0x3FB3] =	sst s0;
	s0 =	simm.s32 @!p1 $0x0  }
0x14: {  	s2 =	sld [smem:$0x3F97];
	s0 =	simm.s32 @p1 $0x1  }
0x15: {  	[smem:$0x3FB4] =	sst s0;
	s0 =	simm.s32 @!p2 $0x0  }
0x16: {  	s3 =	sld [smem:$0x3FDB];
	s0 =	simm.s32 @p2 $0x1  }
0x17: {  	s4 =	simm.s32 $0x1BF5;
	[smem:$0x3FB6] =	sst s0  }
0x18: {  	s0 =	sld [smem:$0x3F99];
	_ =	swait.ge [sflag:s4], $0x0  }
0x19: {  	s7 =	sld [smem:$0x3F9A]  }
0x1a: {  	s8 =	sadd.s32 $0xFFFFE003, lr  }
0x1b: {  	s9 =	sadd.s32 $0xFFFFFEF7, lr;
	s5 =	simm.s32 $0xFFFFFFFF;
	p2 =	slt.u32 s8, $0xFFFFF086  }
0x1c: {  	p1 =	slt.u32 s9, $0xF7A;
	s5 =	simm.s32 @!p2 $0x0  }
0x1d: {  	s5 =	simm.s32 @p1 $0x1;
	p0 =	seq.s32 s7, s2  }
0x1e: {  	s7 =	smul.u32 @!p0 $0xF7A, s2;
	p2 =	seq.s32 @!p0 s5, $0x0  }
0x1f: {  	s9 =	smul.u32 $0xF7A, s1;
	s8 =	simm.s32 @!p0 $0x1BF5;
	p2 =	por !p2, p0  }
0x20: {  	[sflag:s8] =	ssyncset.s32 @!p0 $0xFFFFF086;
	s6 =	sadd.s32 @!p0 s3, s7;
	s7 =	simm.s32 @!p0 $0x108  }
0x21: {  	s3 =	sadd.s32 s3, s9;
	s6 =	sadd.s32 @!p0 $0x88, s6;
	s7 =	simm.s32 @p2 $0x1082  }
0x22: {  	[simem:s7], [sflag:s8] =	dma.local @!p0 [hbm:s6], $0xF7A  }
0x23: {  	s9 =	sor.u32 $0xD0000000, s2;
	s6 =	simm.s32 $0x108;
	_ =	swait.ge @!p0 [sflag:s8], $0x0  }
0x24: {  	s3 =	sadd.s32 $0x88, s3;
	s6 =	simm.s32 @!p1 $0x1082;
	[sflag:s4] =	ssyncset.s32 $0xFFFFF086  }
0x25: {  	[simem:s6], [sflag:s4] =	dma.local [hbm:s3], $0xF7A  }
0x26: {  	[smem:$0x3F9A] =	sst s1;
	(tag) =	ssettag s2;
	_ =	strace s9  }
0x27: {  	s1 =	sld [smem:$0x3FAA]  }
0x28: {  	s2 =	sld [smem:$0x3FAB]  }
0x29: {  	s4 =	sld [smem:$0x3FAD]  }
0x2a: {  	p0 =	seq.s32 s5, $0x0;
	s5 =	sld [smem:$0x3FAE]  }
0x2b: {  	s6 =	sld [smem:$0x3FAF]  }
0x2c: {  	s7 =	sld [smem:$0x3FB0]  }
0x2d: {  	s3 =	simm.s32 $0x108;
	s8 =	sld [smem:$0x3FB1]  }
0x2e: {  	s3 =	simm.s32 @!p0 $0x1082;
	s9 =	sld [smem:$0x3FB2]  }
0x2f: {  	lr =	sadd.s32 s0, s3;
	s0 =	sld [smem:$0x3FA9]  }
0x30: {  	s3 =	sld [smem:$0x3FAC]  }
0x31: {  	[smem:$0x3FB5] =	sst s10  }
0x32: {  	s10 =	sld [smem:$0x3FB3];
	_ =	sdelay $0x3  }
0x33: {  	p0 =	seq.s32 s10, $0x1;
	s10 =	sld [smem:$0x3FB5];
	_ =	sdelay $0x3  }
0x34: {  	[smem:$0x3FB5] =	sst s10  }
0x35: {  	s10 =	sld [smem:$0x3FB4];
	_ =	sdelay $0x3  }
0x36: {  	p1 =	seq.s32 s10, $0x1;
	s10 =	sld [smem:$0x3FB5];
	_ =	sdelay $0x3  }
0x37: {  	[smem:$0x3FB5] =	sst s10  }
0x38: {  	s10 =	sld [smem:$0x3FB6]  }
0x39: {  	_ = 	snop;
	(pc) =	sbr.ind lr, $3  }
0x3a: {  	_ = 	snop  }
0x3b: {  	_ = 	snop  }
0x3c: {  	p2 =	seq.s32 s10, $0x1;
	s10 =	sld [smem:$0x3FB5]  }
0x3d: {  	_ =	shalt  }
0x3e: {  	_ =	shalt  }
0x3f: {  	_ =	shalt  }
0x40: {  	_ =	shalt  }
0x41: {  	_ =	shalt  }
0x42: {  	_ =	shalt  }
0x43: {  	_ =	shalt  }
0x44: {  	_ =	shalt  }
0x45: {  	_ =	shalt  }
0x46: {  	_ =	shalt  }
0x47: {  	_ =	shalt  }
0x48: {  	_ =	shalt  }
0x49: {  	_ =	shalt  }
0x4a: {  	_ =	shalt  }
0x4b: {  	_ =	shalt  }
0x4c: {  	_ =	shalt  }
0x4d: {  	_ =	shalt  }
0x4e: {  	_ =	shalt  }
0x4f: {  	_ =	shalt  }
0x50: {  	_ =	shalt  }
0x51: {  	_ =	shalt  }
0x52: {  	_ =	shalt  }
0x53: {  	_ =	shalt  }
0x54: {  	_ =	shalt  }
0x55: {  	_ =	shalt  }
0x56: {  	_ =	shalt  }
0x57: {  	_ =	shalt  }
0x58: {  	_ =	shalt  }
0x59: {  	_ =	shalt  }
0x5a: {  	_ =	shalt  }
0x5b: {  	_ =	shalt  }
0x5c: {  	_ =	shalt  }
0x5d: {  	_ =	shalt  }
0x5e: {  	_ =	shalt  }
0x5f: {  	_ =	shalt  }
0x60: {  	_ =	shalt  }
0x61: {  	_ =	shalt  }
0x62: {  	_ =	shalt  }
0x63: {  	_ =	shalt  }
0x64: {  	_ =	shalt  }
0x65: {  	_ =	shalt  }
0x66: {  	_ =	shalt  }
0x67: {  	_ =	shalt  }
0x68: {  	_ =	shalt  }
0x69: {  	_ =	shalt  }
0x6a: {  	_ =	shalt  }
0x6b: {  	_ =	shalt  }
0x6c: {  	_ =	shalt  }
0x6d: {  	_ =	shalt  }
0x6e: {  	_ =	shalt  }
0x6f: {  	_ =	shalt  }
0x70: {  	_ =	shalt  }
0x71: {  	_ =	shalt  }
0x72: {  	_ =	shalt  }
0x73: {  	_ =	shalt  }
0x74: {  	_ =	shalt  }
0x75: {  	_ =	shalt  }
0x76: {  	_ =	shalt  }
0x77: {  	_ =	shalt  }
0x78: {  	_ =	shalt  }
0x79: {  	_ =	shalt  }
0x7a: {  	_ =	shalt  }
0x7b: {  	_ =	shalt  }
0x7c: {  	_ =	shalt  }
0x7d: {  	_ =	shalt  }
0x7e: {  	_ =	shalt  }
0x7f: {  	_ =	shalt  }
0x80: {  	_ =	shalt  }
0x81: {  	_ =	shalt  }
0x82: {  	_ =	shalt  }
0x83: {  	_ =	shalt  }
0x84: {  	_ =	shalt  }
0x85: {  	_ =	shalt  }
0x86: {  	_ =	shalt  }
0x87: {  	_ =	shalt  }
.Lfunc_end0:
.L_simem_size_0:
called_computation_lowered:
.L_overlay_start_0:
0x88: {  	s2 =	sld [smem:$0x3FD9]  }
0x89: {  	s3 =	sld [smem:$0x3FFE];
	_ =	sdelay $0x1  }
0x8a: {  	s1 =	srdreg.scid  }
0x8b: {  	s0 =	sand.u32 $0x1, s1  }
0x8c: {  	s14 =	sshll.u32 s0, $0xA;
	s2 =	sadd.s32 s3, s2  }
0x8d: {  	s2 =	sadd.s32 s2, s14  }
0x8e: {  	[smem:$0x3FC1] =	sst s2  }
0x8f: {  	_ = 	snop  }
0x90: {  	s2 =	sld [smem:$0x3FD0];
	_ =	sdelay $0x2  }
0x91: {  	s15 =	simm.s32 $0xA;
	s4 =	simm.s32 $0x10  }
0x92: {  	[smem:s4], [sflag:s15] =	dma.local [hbm:s2], $0x1  }
0x93: {  	_ =	swait.eq [sflag:s15], $0x1  }
0x94: {  	[sflag:s15] =	ssyncset.done $0x0  }
0x95: {  	s16 =	sld [smem:$0x10];
	[sflag:s15] =	ssyncadd.s32 $0xFFFFFFFF  }
0x96: {  	s17 =	sld [smem:$0x11];
	(tm) =	ssettm $0x1  }
0x97: {  	s18 =	sld [smem:$0x3FFB];
	_ =	sdelay $0x3  }
0x98: {  	_ =	strace s18  }
0x99: {  	s4 =	sld [smem:$0x3FFC];
	_ =	sdelay $0x3  }
0x9a: {  	_ =	strace s4  }
0x9b: {  	s4 =	sld [smem:$0x3FFD];
	_ =	sdelay $0x3  }
0x9c: {  	_ =	strace s4  }
0x9d: {  	_ =	strace $0x8FFFFFFF  }
0x9e: {  	s19 =	sld [smem:$0x3FDB];
	_ =	sdelay $0x1  }
0x9f: {  	s5 =	simm.s32 $_scs_section_size  }
0xa0: {  	s6 =	simm.s32 $_size__tile_overlayer_lowered;
	s7 =	simm.s32 $_tile_overlayer_lowered  }
0xa1: {  	s22 =	simm.s32 $0x1BFF;
	s21 =	sshll.u32 s7, $0x1;
	s4 =	sadd.s32 s5, s19  }
0xa2: {  	s8 =	simm.s32 $0x0;
	s20 =	sshll.u32 s6, $0x1;
	s6 =	sadd.s32 s21, s4  }
0xa3: {  	[timem:s8], [sflag:s22] =	dma.local [hbm:s6], s20  }
0xa4: {  	_ =	swait.ge [sflag:s22], s20  }
0xa5: {  	s5 =	ssub.s32 $0x0, s20;
	[sflag:s22] =	ssyncset.done $0x0  }
0xa6: {  	[sflag:s22] =	ssyncadd.s32 s5;
	_ =	sdelay $0x1  }
0xa7: {  	s23 =	simm.s32 $0x1B8B  }
0xa8: {  	_ =	swait.ge [sflag:s23], $0x1  }
0xa9: {  	[sflag:s23] =	ssyncset.done $0x0  }
0xaa: {  	s25 =	simm.s32 $0x1B8E;
	s24 =	sld [smem:$0x3FFE];
	[sflag:s23] =	ssyncadd.s32 $0xFFFFFFFF  }
0xab: {  	s26 =	simm.s32 $execute0_lowered;
	[smem:$0x3FD2] =	sst s25  }
0xac: {  	s6 =	sshll.u32 s26, $0x1;
	_ =	strace $0x80000046;
	[dreg:$0x1] =	wrdreg $0xFFFFFFFF  }
0xad: {  	s28 =	simm.s32 $_size_execute0_lowered;
	s4 =	sadd.s32 s4, s6;
	[dreg:$0x0] =	wrdreg $0x0  }
0xae: {  	s6 =	sshll.u32 s28, $0x1;
	[dreg:$0x2] =	wrdreg s4  }
0xaf: {  	[dreg:$0x3] =	wrdreg s6  }
0xb0: {  	[dreg:$0x4] =	wrdreg $0xC0  }
0xb1: {  	_ =	task [dreg:s8], $0x5FFFF  }
0xb2: {  	[dreg:$0x1] =	wrdreg $0xFFFFFFFF  }
0xb3: {  	[dreg:$0x0] =	wrdreg $0x60  }
0xb4: {  	[dreg:$0x2] =	wrdreg s24  }
0xb5: {  	[dreg:$0x3] =	wrdreg s17  }
0xb6: {  	[dreg:$0x4] =	wrdreg s16  }
0xb7: {  	[dreg:$0x5] =	wrdreg $0x129500  }
0xb8: {  	[dreg:$0x6] =	wrdreg $0x9  }
0xb9: {  	_ =	task.clear_ibuf [dreg:s8], $0x7FFFF;
	_ =	strace $0x90000046  }
0xba: {  	s29 =	simm.s32 $0x9;
	_ =	strace $0x80000048  }
0xbb: {  	_ =	swait.ge [sflag:s29], $0x1  }
0xbc: {  	[sflag:s29] =	ssyncadd.s32 $0xFFFFFFFF  }
0xbd: {  	_ =	strace $0x90000048  }
0xbe: {  	_ =	sfence  }
0xbf: {  	s30 =	sld [smem:$0x0];
	_ =	sdelay $0x2  }
0xc0: {  	s31 =	sshll.u32 s1, $0xD;
	s1 =	sshrl.u32 s1, $0x2  }
0xc1: {  	s3 =	sand.u32 $0x4000, s31;
	s1 =	sadd.s32 s1, s30  }
0xc2: {  	s0 =	sor.u32 s3, s0;
	s1 =	sshll.u32 s1, $0x11  }
0xc3: {  	s0 =	sor.u32 s1, s0  }
0xc4: {  	s0 =	sadd.s32 $0x8F2B, s0  }
0xc5: {  	[sflag:s0] =	ssyncadd.remote.s32 $0x1  }
0xc6: {  	_ =	sfence.sel $0xFFFF  }
0xc7: {  	[dreg:$0x0] =	wrdreg $0xFFFFFFFF;
	(pc) =	sbr.abs _section_cstart, $3  }
0xc8: {  	[dreg:$0x1] =	wrdreg $0xFFFFFFFF  }
0xc9: {  	_ =	task.clear_ibuf [dreg:s8], $0x2FFFF;
	_ =	strace $0x9FFFFFFF  }
0xca: {  	(tm) =	ssettm $0x7FFFFFFF  }
0xcb: {  	_ =	shalt  }
tec
execute0_lowered:
.L_overlay_start_1:
0x0: {  	(tag) =	ssettag $0x1  }
0x1: {  	s9 =	rddreg [dreg:$0x0]  }
0x2: {  	s1 =	rddreg [dreg:$0x1]  }
0x3: {  	s12 =	rddreg [dreg:$0x2]  }
0x4: {  	s2 =	rddreg [dreg:$0x3]  }
0x5: {  	s0 =	rddreg [dreg:$0x4];
	s3 =	simm.s32 $0x0  }
0x6: {  	s8 =	srdreg.scid;
	s4 =	stileid.u32;
	s16 =	simm.s32 $0x3E8  }
0x7: {  	s17 =	simm.s32 $0x84D0;
	s18 =	simm.s32 $0x7D0;
	s19 =	simm.s32 $0x1  }
0x8: {  	s20 =	simm.s32 $0x4650;
	s21 =	simm.s32 $0x2;
	s22 =	simm.s32 $0xC350  }
0x9: {  	s23 =	simm.s32 $0x0;
	[smem:$0x7FF] =	sst s3;
	s5 =	sadd.s32 $0x1C00, s9  }
0xa: {  	s6 =	sadd.s32 $0x6C00, s9;
	s7 =	sadd.s32 $0x15A00, s9;
	s10 =	sand.u32 $0x1, s8  }
0xb: {  	s11 =	smul.u32 $0x2780, s4;
	s8 =	sadd.s32 $0xBC00, s9;
	s9 =	sadd.s32 $0x1F800, s9  }
0xc: {  	s13 =	ssub.s32 $0x2, s10;
	s14 =	smul.u32 $0x27800, s10;
	s10 =	sshll.u32 s10, $0x4  }
0xd: {  	_ =	strace $0x80000047;
	s15 =	sshrl.u32 s13, $0x1;
	s10 =	sor.u32 s4, s10  }
0xe: {  	s13 =	ssub.s32 s13, s15;
	s14 =	sadd.s32 s11, s14;
	s10 =	smul.u32 $0x2710, s10  }
0xf: {  	s11 =	sadd.s32 s11, s2;
	s15 =	simm.s32 $0x3;
	s14 =	sshrl.u32 s14, $0x3  }
0x10: {  	v0 =	vimm.f32 $0.0e+00;
	s13 =	smax.u32 s13, $0x1;
	s12 =	sadd.s32 s12, s14;
	s14 =	simm.s32 $0x101D0  }
.LBB2_1:
0x11: {  	s24 =	simm.s32 $0x40;
	s25 =	simm.s32 $0x0  }
.LBB2_2:
0x12: {  	p0 =	sne.s32 s24, $0x9DC0;
	[tilespmem:s25+$0x101D0] =	vst v0;
	s25 =	smov.u32 s24;
	s24 =	sadd.s32 $0x40, s24  }
.Ltmp0:
0x13: {  	(pc) =	sbr.rel @p0 .LBB2_2-.Ltmp0, $2  }
0x14: {  	_ =	sdelay $0x2  }
0x15: {  	s25 =	sshra.s32 s25, $0x2  }
0x16: {  	[tilespmem:s25+$0x101D0] =	vst v0  }
0x17: {  	[spmem:s11] =	stream.linear.scatter [tilespmem:s14], [sflag:$0x3], $0x2780, $0x38;
	[tilespmem:$0x150D0] =	vst v63  }
0x18: {  	_ =	swait.ge [sflag:s15], $0x2780  }
0x19: {  	[sflag:s15] =	ssyncset.done $0x0  }
0x1a: {  	[sflag:s15] =	ssyncadd.s32 $0xFFFFD880  }
0x1b: {  	s24 =	simm.s32 $0x0;
	s25 =	simm.s32 $0x0;
	[bflag:$0x0] =	sbarrier.arrive $0xFFFF  }
.LBB2_4:
0x1c: {  	s26 =	smul.u32 $0x3E8, s25;
	_ =	sdelay $0x1  }
0x1d: {  	s26 =	sadd.s32 s10, s26  }
0x1e: {  	s28 =	sshrl.u32 s26, $0x3  }
0x1f: {  	s29 =	sadd.s32 s7, s28  }
0x20: {  	[tilespmem:s24], [sflag:$0x3] =	stream.linear.gather [hbm4b:s29+s24], $0x3E8, $0x38;
	[tilespmem:$0x150D0] =	vst v63  }
0x21: {  	_ =	swait.ge [sflag:s15], $0x3E8  }
0x22: {  	[sflag:s15] =	ssyncset.done $0x0  }
0x23: {  	s28 =	sadd.s32 s8, s28;
	[sflag:s15] =	ssyncadd.s32 $0xFFFFFC18  }
0x24: {  	[tilespmem:s16], [sflag:$0x3] =	stream.linear.gather [hbm4b:s28+s24], $0x3E8, $0x38;
	[tilespmem:$0x150D0] =	vst v63  }
0x25: {  	_ =	swait.ge [sflag:s15], $0x3E8  }
0x26: {  	s26 =	sshll.u32 s26, $0x1;
	[sflag:s15] =	ssyncset.done $0x0  }
0x27: {  	s28 =	sadd.s32 s1, s26;
	[sflag:s15] =	ssyncadd.s32 $0xFFFFFC18  }
0x28: {  	[tilespmem:s17], [sflag:$0x3] =	stream.linear.gather [hbm4b:s28+s24], $0x3E80, $0x38;
	[tilespmem:$0x150D0] =	vst v63  }
0x29: {  	_ =	swait.ge [sflag:s15], $0x3E80  }
0x2a: {  	[sflag:s15] =	ssyncset.done $0x0  }
0x2b: {  	[sflag:s15] =	ssyncadd.s32 $0xFFFFC180  }
0x2c: {  	[tilespmem:s18], [sflag:$0x1] =	stream.indirect.gather [hbm4b:s5+s16], $0x10, s24, s16, $0xb8;
	[tilespmem:$0x150D0] =	vst v63  }
0x2d: {  	_ =	swait.ge [sflag:s19], $0x3E80  }
0x2e: {  	[sflag:s19] =	ssyncset.done $0x0  }
0x2f: {  	[sflag:s19] =	ssyncadd.s32 $0xFFFFC180  }
0x30: {  	[tilespmem:s20], [sflag:$0x2] =	stream.indirect.gather [hbm4b:s6+s16], $0x10, s16, s16, $0xb8;
	[tilespmem:$0x150D0] =	vst v63  }
0x31: {  	_ =	swait.ge [sflag:s21], $0x3E80  }
0x32: {  	[sflag:s21] =	ssyncset.done $0x0  }
0x33: {  	s28 =	simm.s32 $0x0;
	[sflag:s21] =	ssyncadd.s32 $0xFFFFC180  }
0x34: {  	v1 =	vld [tilespmem:s28+$0x7D0]  }
0x35: {  	v2 =	vld [tilespmem:s28+$0x4650];
	_ =	sdelay $0x1  }
0x36: {  	v3 =	vld [tilespmem:s28+$0x84D0];
	_ =	sdelay $0x2  }
0x37: {  	s29 =	simm.s32 $0x10;
	v2 =	vadd.f32 v2, v1  }
0x38: {  	v1 =	vld [tilespmem:s29+$0x7D0]  }
0x39: {  	v4 =	vadd.f32 v3, v2;
	v2 =	vld [tilespmem:s29+$0x4650];
	_ =	sdelay $0x1  }
0x3a: {  	v3 =	vld [tilespmem:s29+$0x84D0]  }
0x3b: {  	s30 =	simm.s32 $0x80;
	v4 =	vmax.f32 v4, $0.0e+00  }
.LBB2_5:
0x3c: {  	[tilespmem:s28+$0xC350] =	vst v4;
	s28 =	smov.u32 s29;
	s29 =	sshra.s32 s30, $0x2;
	p0 =	sne.s32 s30, $0xF9C0  }
.Ltmp1:
0x3d: {  	s30 =	sadd.s32 $0x40, s30;
	v4 =	vadd.f32 v2, v1;
	v1 =	vld [tilespmem:s29+$0x7D0];
	(pc) =	sbr.rel @p0 .LBB2_5-.Ltmp1, $4  }
0x3e: {  	v2 =	vld [tilespmem:s29+$0x4650]  }
0x3f: {  	v4 =	vadd.f32 v3, v4  }
0x40: {  	v3 =	vld [tilespmem:s29+$0x84D0]  }
0x41: {  	v4 =	vmax.f32 v4, $0.0e+00  }
0x42: {  	_ = 	snop  }
0x43: {  	v1 =	vadd.f32 v2, v1;
	_ =	sdelay $0x1  }
0x44: {  	v1 =	vadd.f32 v3, v1;
	_ =	sdelay $0x1  }
0x45: {  	[tilespmem:s28+$0xC350] =	vst v4;
	v1 =	vmax.f32 v1, $0.0e+00  }
0x46: {  	s26 =	sadd.s32 s9, s26;
	[tilespmem:s29+$0xC350] =	vst v1  }
0x47: {  	[hbm4b:s26+s3] =	stream.linear.scatter [tilespmem:s22], [sflag:$0x3], $0x3E80, $0x38;
	[tilespmem:$0x150D0] =	vst v63  }
0x48: {  	s25 =	sadd.s32 $0x1, s25;
	_ =	swait.ge [sflag:s15], $0x3E80  }
0x49: {  	p0 =	sne.s32 s25, $0xA;
	[sflag:s15] =	ssyncset.done $0x0  }
.Ltmp2:
0x4a: {  	[sflag:s15] =	ssyncadd.s32 $0xFFFFC180;
	(pc) =	sbr.rel @p0 .LBB2_4-.Ltmp2, $4  }
0x4b: {  	[spmem:s2] =	stream.indirect.scatter.add.f32 [tilespmem:s22], [sflag:$0x3], $0x10, s16, s16, $0xb8;
	[tilespmem:$0x150D0] =	vst v63  }
0x4c: {  	_ =	swait.ge [sflag:s15], $0x3E80  }
0x4d: {  	[sflag:s15] =	ssyncset.done $0x0  }
0x4e: {  	[sflag:s15] =	ssyncadd.s32 $0xFFFFC180  }
0x4f: {  	s23 =	sadd.s32 $0x1, s23  }
0x50: {  	s24 =	sshll.u32 s4, $0x6;
	[bflag:$0x0] =	sbarrier.arrive $0xFFFF;
	p0 =	sne.s32 s23, s13  }
.Ltmp3:
0x51: {  	s25 =	sshrl.u32 s11, $0x3;
	s24 =	sor.u32 $0x1C03, s24;
	(pc) =	sbr.rel @p0 .LBB2_1-.Ltmp3, $4  }
0x52: {  	[hbm:s12], [sflag:s24] =	dma.local [spmem:s25], $0x4F0  }
0x53: {  	_ =	swait.ge [sflag:s15], $0x4F0  }
0x54: {  	[sflag:s15] =	ssyncset.done $0x0  }
0x55: {  	[sflag:s15] =	ssyncadd.s32 $0xFFFFFB10  }
0x56: {  	_ =	sfence.sel $0x180000  }
0x57: {  	[bflag:$0x0] =	sbarrier.arrive $0xFFFF  }
0x58: {  	p0 =	sne.s32 s4, $0x0;
	_ =	strace $0x90000047  }
0x59: {  	s0 =	sadd.s32 @!p0 $0x100000, s0;
	[bflag:$0x2] =	sbarrier.arrive $0xFFFF  }
0x5a: {  	[sflag:s0] =	ssyncadd.tile.s32 @!p0 $0x1;
	_ =	shalt  }
.Lfunc_end2:
_tile_overlayer_lowered:
.L_overlay_start_2:
0x5b: {  	(tag) =	ssettag $0x2  }
0x5c: {  	s0 =	rddreg [dreg:$0x0];
	s2 =	stileid.u32  }
0x5d: {  	s1 =	rddreg [dreg:$0x1];
	p0 =	sne.s32 s2, $0x0  }
0x5e: {  	s3 =	rddreg [dreg:$0x2];
	[bflag:$0x3] =	sbarrier.arrive $0xFFFF;
	s2 =	simm.s32 @!p0 $0x1C03  }
0x5f: {  	[timem:s3], [sflag:s2] =	dma.local @!p0 [hbm:s0], s1  }
0x60: {  	s0 =	simm.s32 @!p0 $0x3  }
0x61: {  	_ =	swait.ge @!p0 [sflag:s0], s1  }
0x62: {  	s1 =	ssub.s32 @!p0 $0x0, s1;
	[sflag:s0] =	ssyncset.done @!p0 $0x0  }
0x63: {  	[sflag:s0] =	ssyncadd.s32 @!p0 s1  }
0x64: {  	[bflag:$0x3] =	sbarrier.arrive $0xFFFF  }
0x65: {  	_ =	shalt  }

</sc_bundles>
